<compile_context>
chip_gen: v7x
topology: tpu7x:2x2x1
jax: 0.10.2.dev20260603
libtpu: 0.0.44.dev20260713+nightly
codegen_flags: <defaults>
</compile_context>

<pallas_src>
import functools

import jax
import jax.numpy as jnp
from jax import lax
from jax.experimental import pallas as pl
from jax.experimental.pallas import tpu as pltpu
from jax.experimental.pallas import tpu_sc as plsc

_L = 200
_B = 4096
_V = 1_000_000
_D = 64

_PACK = 8
_KDIM = _PACK * _D
_ROWS = _V // _PACK
_BLK = 5000

_NC, _NS = 2, 16
_NW = _NC * _NS
_BPW = _B // _NW
_LANES = 16


def _matvec_body(x_ref, w_ref, o_ref):
    y = jnp.dot(x_ref[...].astype(jnp.bfloat16), w_ref[...],
                preferred_element_type=jnp.float32)
    o_ref[...] = y.reshape(_BLK * 16 * _PACK)


def _scalarize(embr, wbd):
    grid = _ROWS // _BLK
    return pl.pallas_call(
        _matvec_body,
        grid=(grid,),
        in_specs=[
            pl.BlockSpec((_BLK, _KDIM), lambda i: (i, 0)),
            pl.BlockSpec((_KDIM, 16 * _PACK), lambda i: (0, 0)),
        ],
        out_specs=pl.BlockSpec((_BLK * 16 * _PACK,), lambda i: (i,)),
        out_shape=jax.ShapeDtypeStruct((16 * _V,), jnp.float32),
    )(embr, wbd)


def _sc_pool_body(text_hbm, s_hbm, out_hbm, idx2_v, idx_v, val_v, res_v, sem):
    wid = lax.axis_index("s") * _NC + lax.axis_index("c")
    pltpu.sync_copy(text_hbm.at[:, pl.ds(wid * _BPW, _BPW)], idx2_v)

    def fbody(l, carry):
        for g in range(_BPW // _LANES):
            v = idx2_v[l, pl.ds(g * _LANES, _LANES)]
            idx_v[pl.ds(l * _BPW + g * _LANES, _LANES)] = (
                ((v >> 3) << 7) + (v & 7))
        return carry

    lax.fori_loop(0, _L, fbody, 0)
    pltpu.async_copy(s_hbm.at[idx_v], val_v, sem).wait()
    ngroups = _BPW // _LANES
    zero = jnp.zeros((_LANES,), jnp.float32)

    def body(l, accs):
        row = l * _BPW
        return tuple(accs[g] + val_v[pl.ds(row + g * _LANES, _LANES)]
                     for g in range(ngroups))

    accs = lax.fori_loop(0, _L, body, tuple(zero for _ in range(ngroups)))
    for g in range(ngroups):
        res_v[pl.ds(g * _LANES, _LANES)] = accs[g]
    pltpu.sync_copy(res_v, out_hbm.at[pl.ds(wid * _BPW, _BPW)])


def _sc_pool(text, s):
    mesh = plsc.VectorSubcoreMesh(core_axis_name="c", subcore_axis_name="s")
    k = functools.partial(
        pl.kernel,
        mesh=mesh,
        out_type=jax.ShapeDtypeStruct((_B,), jnp.float32),
        scratch_types=[
            pltpu.VMEM((_L, _BPW), jnp.int32),
            pltpu.VMEM((_L * _BPW,), jnp.int32),
            pltpu.VMEM((_L * _BPW,), jnp.float32),
            pltpu.VMEM((_BPW,), jnp.float32),
            pltpu.SemaphoreType.DMA,
        ],
    )(_sc_pool_body)
    return k(text, s)


def kernel(text, text_len, emb, W, b):
    del text_len
    embr = emb.reshape(_ROWS, _KDIM)
    wbd = jnp.tile(jnp.kron(jnp.eye(_PACK, dtype=jnp.float32),
                            W * (1.0 / _L)), (1, 16)).astype(jnp.bfloat16)
    s = _scalarize(embr, wbd)
    pooled = _sc_pool(text, s)
    return pooled.reshape(_B, 1) + b

# --- scband reference (transcript-rebuilt; emitter-appended) ---
"""Pipeline reference for scband-swem-avg-63093069578385 (READ-ONLY COPY).

The authoritative reference and input builder live on the scoring server;
editing this copy changes nothing except your own understanding.
"""

import jax, jax.numpy as jnp
import numpy as np

L, B, V, D = 200, 4096, 1000000, 64

def setup_inputs(seed: int = 0) -> dict:
    key = jax.random.key(seed)
    k1, k2, k3, k4, k5 = jax.random.split(key, 5)
    text = jax.random.randint(k1, (L, B), 0, V)
    text_len = jax.random.randint(k2, (B,), 0, 200)
    emb = jax.random.normal(k3, (V, D), dtype=jnp.float32)
    emb = emb.at[0].set(0.0)  # padding_idx=0 row is zero
    W = jax.random.normal(k4, (D, 1), dtype=jnp.float32) * 0.05
    b = jnp.zeros((1,), dtype=jnp.float32)
    return {"text": text, "text_len": text_len, "emb": emb, "W": W, "b": b}

def reference(text, text_len, emb, W, b):
    # embedding lookup: [L, B] -> [L, B, D]
    embedded = jnp.take(emb, text, axis=0)
    # torch: permute(1,2,0) -> [B, D, L]; avg_pool1d over full length == mean over L
    pooled = jnp.mean(embedded, axis=0)  # [B, D]
    # fc: Linear(D, 1)
    return pooled @ W + b  # [B, 1]

if __name__ == "__main__":
    import jax
    _d = setup_inputs()
    print(jax.jit(kernel)(*tuple(_d.values())))

</pallas_src>

<mosaic_0001>
#map = affine_map<(d0, d1) -> (0, 0)>
#map1 = affine_map<(d0, d1) -> (0)>
module attributes {stable_mosaic.version = 14 : i64} {
  func.func @_sc_pool_body(%arg0: i32, %arg1: i32, %arg2: memref<200x4096xi32, #tpu.memory_space<hbm>>, %arg3: memref<16000000xf32, #tpu.memory_space<hbm>>, %arg4: memref<4096xf32, #tpu.memory_space<hbm>>, %arg5: memref<200x128xi32, #tpu.memory_space<vmem>>, %arg6: memref<25600xi32, #tpu.memory_space<vmem>>, %arg7: memref<25600xf32, #tpu.memory_space<vmem>>, %arg8: memref<128xf32, #tpu.memory_space<vmem>>, %arg9: memref<!tpu.dma_semaphore, #tpu.memory_space<semaphore_mem>>) attributes {dimension_semantics = [#tpu.dimension_semantics<core_parallel>, #tpu.dimension_semantics<subcore_parallel>], iteration_bounds = array<i64: 2, 16>, scalar_prefetch = 0 : i64, scratch_operands = 5 : i64, tpu.core_type = #tpu.core_type<sc_vector_subcore>, window_params = [{transform_indices = #map}, {transform_indices = #map1}, {transform_indices = #map1}]} {
    %mul3A = arith.constant 2 : i32
    %mul3A_0 = arith.muli %arg1, %mul3A : i32
    %add3A = arith.addi %mul3A_0, %arg0 : i32
    %mul3A_1 = arith.constant 128 : i32
    %mul3A_2 = arith.muli %add3A, %mul3A_1 : i32
    "tpu.region"() ({
      %run_scoped3A = tpu.sem_alloc : memref<!tpu.dma_semaphore, #tpu.memory_space<semaphore_mem>>
      %dma_start3A_50 = arith.constant 0 : i32
      %dma_start3A_51 = tpu.memref_slice %arg2[%dma_start3A_50, %mul3A_2] : memref<200x4096xi32, #tpu.memory_space<hbm>> -> memref<200x128xi32, #tpu.memory_space<hbm>>
      %dma_start3A_52 = arith.constant 0 : i32
      %dma_start3A_53 = tpu.memref_slice %arg2[%dma_start3A_52, %mul3A_2] : memref<200x4096xi32, #tpu.memory_space<hbm>> -> memref<200x128xi32, #tpu.memory_space<hbm>>
      tpu.enqueue_dma source(%dma_start3A_53 : memref<200x128xi32, #tpu.memory_space<hbm>>) target(%arg5 : memref<200x128xi32, #tpu.memory_space<vmem>>) target_semaphore(%run_scoped3A : memref<!tpu.dma_semaphore, #tpu.memory_space<semaphore_mem>>)
      %dma_wait3A_54 = arith.constant 0 : i32
      %dma_wait3A_55 = tpu.memref_slice %arg2[%dma_wait3A_54, %mul3A_2] : memref<200x4096xi32, #tpu.memory_space<hbm>> -> memref<200x128xi32, #tpu.memory_space<hbm>>
      %dma_wait3A_56 = arith.constant 0 : i32
      %dma_wait3A_57 = tpu.memref_slice %arg2[%dma_wait3A_56, %mul3A_2] : memref<200x4096xi32, #tpu.memory_space<hbm>> -> memref<200x128xi32, #tpu.memory_space<hbm>>
      tpu.wait_dma2 semaphore(%run_scoped3A : memref<!tpu.dma_semaphore, #tpu.memory_space<semaphore_mem>>) src(%dma_wait3A_57 : memref<200x128xi32, #tpu.memory_space<hbm>>) dst(%arg5 : memref<200x128xi32, #tpu.memory_space<vmem>>)
      tpu.yield
    }) : () -> ()
    %scan3A = arith.constant 0 : i32
    %scan3A_3 = arith.constant 0 : i32
    %scan3A_4 = arith.constant 200 : i32
    %scan3A_5 = arith.addi %scan3A_3, %scan3A_4 : i32
    %scan3A_6 = arith.constant 1 : i32
    scf.for %scan3A_50 = %scan3A_3 to %scan3A_5 step %scan3A_6  : i32 {
      %get3A = arith.index_cast %scan3A_50 : i32 to index
      %get3A_51 = arith.constant 0 : index
      %get3A_52 = tpu.vector_load %arg5[%get3A, %get3A_51] {strides = array<i32>} : memref<200x128xi32, #tpu.memory_space<vmem>>, vector<1x16xi32>,
      %get3A_53 = vector.shape_cast %get3A_52 : vector<1x16xi32> to vector<16xi32>
      %shift_right_arithmetic3A = arith.constant 3 : i32
      %shift_right_arithmetic3A_54 = vector.broadcast %shift_right_arithmetic3A : i32 to vector<16xi32>
      %shift_right_arithmetic3A_55 = arith.shrsi %get3A_53, %shift_right_arithmetic3A_54 : vector<16xi32>
      %shift_left3A = arith.constant 7 : i32
      %shift_left3A_56 = vector.broadcast %shift_left3A : i32 to vector<16xi32>
      %shift_left3A_57 = arith.shli %shift_right_arithmetic3A_55, %shift_left3A_56 : vector<16xi32>
      %and3A = arith.constant 7 : i32
      %and3A_58 = vector.broadcast %and3A : i32 to vector<16xi32>
      %and3A_59 = arith.andi %get3A_53, %and3A_58 : vector<16xi32>
      %add3A_60 = arith.addi %shift_left3A_57, %and3A_59 : vector<16xi32>
      %mul3A_61 = arith.constant 128 : i32
      %mul3A_62 = arith.muli %scan3A_50, %mul3A_61 : i32
      %add3A_63 = arith.constant 0 : i32
      %add3A_64 = arith.addi %mul3A_62, %add3A_63 : i32
      %swap3A_65 = arith.index_cast %add3A_64 : i32 to index
      %swap3A_66 = tpu.vector_load %arg6[%swap3A_65] {strides = array<i32>} : memref<25600xi32, #tpu.memory_space<vmem>>, vector<16xi32>,
      %swap3A_67 = vector.shape_cast %swap3A_66 : vector<16xi32> to vector<16xi32>
      %swap3A_68 = vector.shape_cast %add3A_60 : vector<16xi32> to vector<16xi32>
      tpu.vector_store %arg6[%swap3A_65], %swap3A_68 {strides = array<i32>} : memref<25600xi32, #tpu.memory_space<vmem>>, vector<16xi32>,
      %get3A_69 = arith.index_cast %scan3A_50 : i32 to index
      %get3A_70 = arith.constant 16 : index
      %get3A_71 = tpu.vector_load %arg5[%get3A_69, %get3A_70] {strides = array<i32>} : memref<200x128xi32, #tpu.memory_space<vmem>>, vector<1x16xi32>,
      %get3A_72 = vector.shape_cast %get3A_71 : vector<1x16xi32> to vector<16xi32>
      %shift_right_arithmetic3A_73 = arith.constant 3 : i32
      %shift_right_arithmetic3A_74 = vector.broadcast %shift_right_arithmetic3A_73 : i32 to vector<16xi32>
      %shift_right_arithmetic3A_75 = arith.shrsi %get3A_72, %shift_right_arithmetic3A_74 : vector<16xi32>
      %shift_left3A_76 = arith.constant 7 : i32
      %shift_left3A_77 = vector.broadcast %shift_left3A_76 : i32 to vector<16xi32>
      %shift_left3A_78 = arith.shli %shift_right_arithmetic3A_75, %shift_left3A_77 : vector<16xi32>
      %and3A_79 = arith.constant 7 : i32
      %and3A_80 = vector.broadcast %and3A_79 : i32 to vector<16xi32>
      %and3A_81 = arith.andi %get3A_72, %and3A_80 : vector<16xi32>
      %add3A_82 = arith.addi %shift_left3A_78, %and3A_81 : vector<16xi32>
      %mul3A_83 = arith.constant 128 : i32
      %mul3A_84 = arith.muli %scan3A_50, %mul3A_83 : i32
      %add3A_85 = arith.constant 16 : i32
      %add3A_86 = arith.addi %mul3A_84, %add3A_85 : i32
      %swap3A_87 = arith.index_cast %add3A_86 : i32 to index
      %swap3A_88 = tpu.vector_load %arg6[%swap3A_87] {strides = array<i32>} : memref<25600xi32, #tpu.memory_space<vmem>>, vector<16xi32>,
      %swap3A_89 = vector.shape_cast %swap3A_88 : vector<16xi32> to vector<16xi32>
      %swap3A_90 = vector.shape_cast %add3A_82 : vector<16xi32> to vector<16xi32>
      tpu.vector_store %arg6[%swap3A_87], %swap3A_90 {strides = array<i32>} : memref<25600xi32, #tpu.memory_space<vmem>>, vector<16xi32>,
      %get3A_91 = arith.index_cast %scan3A_50 : i32 to index
      %get3A_92 = arith.constant 32 : index
      %get3A_93 = tpu.vector_load %arg5[%get3A_91, %get3A_92] {strides = array<i32>} : memref<200x128xi32, #tpu.memory_space<vmem>>, vector<1x16xi32>,
      %get3A_94 = vector.shape_cast %get3A_93 : vector<1x16xi32> to vector<16xi32>
      %shift_right_arithmetic3A_95 = arith.constant 3 : i32
      %shift_right_arithmetic3A_96 = vector.broadcast %shift_right_arithmetic3A_95 : i32 to vector<16xi32>
      %shift_right_arithmetic3A_97 = arith.shrsi %get3A_94, %shift_right_arithmetic3A_96 : vector<16xi32>
      %shift_left3A_98 = arith.constant 7 : i32
      %shift_left3A_99 = vector.broadcast %shift_left3A_98 : i32 to vector<16xi32>
      %shift_left3A_100 = arith.shli %shift_right_arithmetic3A_97, %shift_left3A_99 : vector<16xi32>
      %and3A_101 = arith.constant 7 : i32
      %and3A_102 = vector.broadcast %and3A_101 : i32 to vector<16xi32>
      %and3A_103 = arith.andi %get3A_94, %and3A_102 : vector<16xi32>
      %add3A_104 = arith.addi %shift_left3A_100, %and3A_103 : vector<16xi32>
      %mul3A_105 = arith.constant 128 : i32
      %mul3A_106 = arith.muli %scan3A_50, %mul3A_105 : i32
      %add3A_107 = arith.constant 32 : i32
      %add3A_108 = arith.addi %mul3A_106, %add3A_107 : i32
      %swap3A_109 = arith.index_cast %add3A_108 : i32 to index
      %swap3A_110 = tpu.vector_load %arg6[%swap3A_109] {strides = array<i32>} : memref<25600xi32, #tpu.memory_space<vmem>>, vector<16xi32>,
      %swap3A_111 = vector.shape_cast %swap3A_110 : vector<16xi32> to vector<16xi32>
      %swap3A_112 = vector.shape_cast %add3A_104 : vector<16xi32> to vector<16xi32>
      tpu.vector_store %arg6[%swap3A_109], %swap3A_112 {strides = array<i32>} : memref<25600xi32, #tpu.memory_space<vmem>>, vector<16xi32>,
      %get3A_113 = arith.index_cast %scan3A_50 : i32 to index
      %get3A_114 = arith.constant 48 : index
      %get3A_115 = tpu.vector_load %arg5[%get3A_113, %get3A_114] {strides = array<i32>} : memref<200x128xi32, #tpu.memory_space<vmem>>, vector<1x16xi32>,
      %get3A_116 = vector.shape_cast %get3A_115 : vector<1x16xi32> to vector<16xi32>
      %shift_right_arithmetic3A_117 = arith.constant 3 : i32
      %shift_right_arithmetic3A_118 = vector.broadcast %shift_right_arithmetic3A_117 : i32 to vector<16xi32>
      %shift_right_arithmetic3A_119 = arith.shrsi %get3A_116, %shift_right_arithmetic3A_118 : vector<16xi32>
      %shift_left3A_120 = arith.constant 7 : i32
      %shift_left3A_121 = vector.broadcast %shift_left3A_120 : i32 to vector<16xi32>
      %shift_left3A_122 = arith.shli %shift_right_arithmetic3A_119, %shift_left3A_121 : vector<16xi32>
      %and3A_123 = arith.constant 7 : i32
      %and3A_124 = vector.broadcast %and3A_123 : i32 to vector<16xi32>
      %and3A_125 = arith.andi %get3A_116, %and3A_124 : vector<16xi32>
      %add3A_126 = arith.addi %shift_left3A_122, %and3A_125 : vector<16xi32>
      %mul3A_127 = arith.constant 128 : i32
      %mul3A_128 = arith.muli %scan3A_50, %mul3A_127 : i32
      %add3A_129 = arith.constant 48 : i32
      %add3A_130 = arith.addi %mul3A_128, %add3A_129 : i32
      %swap3A_131 = arith.index_cast %add3A_130 : i32 to index
      %swap3A_132 = tpu.vector_load %arg6[%swap3A_131] {strides = array<i32>} : memref<25600xi32, #tpu.memory_space<vmem>>, vector<16xi32>,
      %swap3A_133 = vector.shape_cast %swap3A_132 : vector<16xi32> to vector<16xi32>
      %swap3A_134 = vector.shape_cast %add3A_126 : vector<16xi32> to vector<16xi32>
      tpu.vector_store %arg6[%swap3A_131], %swap3A_134 {strides = array<i32>} : memref<25600xi32, #tpu.memory_space<vmem>>, vector<16xi32>,
      %get3A_135 = arith.index_cast %scan3A_50 : i32 to index
      %get3A_136 = arith.constant 64 : index
      %get3A_137 = tpu.vector_load %arg5[%get3A_135, %get3A_136] {strides = array<i32>} : memref<200x128xi32, #tpu.memory_space<vmem>>, vector<1x16xi32>,
      %get3A_138 = vector.shape_cast %get3A_137 : vector<1x16xi32> to vector<16xi32>
      %shift_right_arithmetic3A_139 = arith.constant 3 : i32
      %shift_right_arithmetic3A_140 = vector.broadcast %shift_right_arithmetic3A_139 : i32 to vector<16xi32>
      %shift_right_arithmetic3A_141 = arith.shrsi %get3A_138, %shift_right_arithmetic3A_140 : vector<16xi32>
      %shift_left3A_142 = arith.constant 7 : i32
      %shift_left3A_143 = vector.broadcast %shift_left3A_142 : i32 to vector<16xi32>
      %shift_left3A_144 = arith.shli %shift_right_arithmetic3A_141, %shift_left3A_143 : vector<16xi32>
      %and3A_145 = arith.constant 7 : i32
      %and3A_146 = vector.broadcast %and3A_145 : i32 to vector<16xi32>
      %and3A_147 = arith.andi %get3A_138, %and3A_146 : vector<16xi32>
      %add3A_148 = arith.addi %shift_left3A_144, %and3A_147 : vector<16xi32>
      %mul3A_149 = arith.constant 128 : i32
      %mul3A_150 = arith.muli %scan3A_50, %mul3A_149 : i32
      %add3A_151 = arith.constant 64 : i32
      %add3A_152 = arith.addi %mul3A_150, %add3A_151 : i32
      %swap3A_153 = arith.index_cast %add3A_152 : i32 to index
      %swap3A_154 = tpu.vector_load %arg6[%swap3A_153] {strides = array<i32>} : memref<25600xi32, #tpu.memory_space<vmem>>, vector<16xi32>,
      %swap3A_155 = vector.shape_cast %swap3A_154 : vector<16xi32> to vector<16xi32>
      %swap3A_156 = vector.shape_cast %add3A_148 : vector<16xi32> to vector<16xi32>
      tpu.vector_store %arg6[%swap3A_153], %swap3A_156 {strides = array<i32>} : memref<25600xi32, #tpu.memory_space<vmem>>, vector<16xi32>,
      %get3A_157 = arith.index_cast %scan3A_50 : i32 to index
      %get3A_158 = arith.constant 80 : index
      %get3A_159 = tpu.vector_load %arg5[%get3A_157, %get3A_158] {strides = array<i32>} : memref<200x128xi32, #tpu.memory_space<vmem>>, vector<1x16xi32>,
      %get3A_160 = vector.shape_cast %get3A_159 : vector<1x16xi32> to vector<16xi32>
      %shift_right_arithmetic3A_161 = arith.constant 3 : i32
      %shift_right_arithmetic3A_162 = vector.broadcast %shift_right_arithmetic3A_161 : i32 to vector<16xi32>
      %shift_right_arithmetic3A_163 = arith.shrsi %get3A_160, %shift_right_arithmetic3A_162 : vector<16xi32>
      %shift_left3A_164 = arith.constant 7 : i32
      %shift_left3A_165 = vector.broadcast %shift_left3A_164 : i32 to vector<16xi32>
      %shift_left3A_166 = arith.shli %shift_right_arithmetic3A_163, %shift_left3A_165 : vector<16xi32>
      %and3A_167 = arith.constant 7 : i32
      %and3A_168 = vector.broadcast %and3A_167 : i32 to vector<16xi32>
      %and3A_169 = arith.andi %get3A_160, %and3A_168 : vector<16xi32>
      %add3A_170 = arith.addi %shift_left3A_166, %and3A_169 : vector<16xi32>
      %mul3A_171 = arith.constant 128 : i32
      %mul3A_172 = arith.muli %scan3A_50, %mul3A_171 : i32
      %add3A_173 = arith.constant 80 : i32
      %add3A_174 = arith.addi %mul3A_172, %add3A_173 : i32
      %swap3A_175 = arith.index_cast %add3A_174 : i32 to index
      %swap3A_176 = tpu.vector_load %arg6[%swap3A_175] {strides = array<i32>} : memref<25600xi32, #tpu.memory_space<vmem>>, vector<16xi32>,
      %swap3A_177 = vector.shape_cast %swap3A_176 : vector<16xi32> to vector<16xi32>
      %swap3A_178 = vector.shape_cast %add3A_170 : vector<16xi32> to vector<16xi32>
      tpu.vector_store %arg6[%swap3A_175], %swap3A_178 {strides = array<i32>} : memref<25600xi32, #tpu.memory_space<vmem>>, vector<16xi32>,
      %get3A_179 = arith.index_cast %scan3A_50 : i32 to index
      %get3A_180 = arith.constant 96 : index
      %get3A_181 = tpu.vector_load %arg5[%get3A_179, %get3A_180] {strides = array<i32>} : memref<200x128xi32, #tpu.memory_space<vmem>>, vector<1x16xi32>,
      %get3A_182 = vector.shape_cast %get3A_181 : vector<1x16xi32> to vector<16xi32>
      %shift_right_arithmetic3A_183 = arith.constant 3 : i32
      %shift_right_arithmetic3A_184 = vector.broadcast %shift_right_arithmetic3A_183 : i32 to vector<16xi32>
      %shift_right_arithmetic3A_185 = arith.shrsi %get3A_182, %shift_right_arithmetic3A_184 : vector<16xi32>
      %shift_left3A_186 = arith.constant 7 : i32
      %shift_left3A_187 = vector.broadcast %shift_left3A_186 : i32 to vector<16xi32>
      %shift_left3A_188 = arith.shli %shift_right_arithmetic3A_185, %shift_left3A_187 : vector<16xi32>
      %and3A_189 = arith.constant 7 : i32
      %and3A_190 = vector.broadcast %and3A_189 : i32 to vector<16xi32>
      %and3A_191 = arith.andi %get3A_182, %and3A_190 : vector<16xi32>
      %add3A_192 = arith.addi %shift_left3A_188, %and3A_191 : vector<16xi32>
      %mul3A_193 = arith.constant 128 : i32
      %mul3A_194 = arith.muli %scan3A_50, %mul3A_193 : i32
      %add3A_195 = arith.constant 96 : i32
      %add3A_196 = arith.addi %mul3A_194, %add3A_195 : i32
      %swap3A_197 = arith.index_cast %add3A_196 : i32 to index
      %swap3A_198 = tpu.vector_load %arg6[%swap3A_197] {strides = array<i32>} : memref<25600xi32, #tpu.memory_space<vmem>>, vector<16xi32>,
      %swap3A_199 = vector.shape_cast %swap3A_198 : vector<16xi32> to vector<16xi32>
      %swap3A_200 = vector.shape_cast %add3A_192 : vector<16xi32> to vector<16xi32>
      tpu.vector_store %arg6[%swap3A_197], %swap3A_200 {strides = array<i32>} : memref<25600xi32, #tpu.memory_space<vmem>>, vector<16xi32>,
      %get3A_201 = arith.index_cast %scan3A_50 : i32 to index
      %get3A_202 = arith.constant 112 : index
      %get3A_203 = tpu.vector_load %arg5[%get3A_201, %get3A_202] {strides = array<i32>} : memref<200x128xi32, #tpu.memory_space<vmem>>, vector<1x16xi32>,
      %get3A_204 = vector.shape_cast %get3A_203 : vector<1x16xi32> to vector<16xi32>
      %shift_right_arithmetic3A_205 = arith.constant 3 : i32
      %shift_right_arithmetic3A_206 = vector.broadcast %shift_right_arithmetic3A_205 : i32 to vector<16xi32>
      %shift_right_arithmetic3A_207 = arith.shrsi %get3A_204, %shift_right_arithmetic3A_206 : vector<16xi32>
      %shift_left3A_208 = arith.constant 7 : i32
      %shift_left3A_209 = vector.broadcast %shift_left3A_208 : i32 to vector<16xi32>
      %shift_left3A_210 = arith.shli %shift_right_arithmetic3A_207, %shift_left3A_209 : vector<16xi32>
      %and3A_211 = arith.constant 7 : i32
      %and3A_212 = vector.broadcast %and3A_211 : i32 to vector<16xi32>
      %and3A_213 = arith.andi %get3A_204, %and3A_212 : vector<16xi32>
      %add3A_214 = arith.addi %shift_left3A_210, %and3A_213 : vector<16xi32>
      %mul3A_215 = arith.constant 128 : i32
      %mul3A_216 = arith.muli %scan3A_50, %mul3A_215 : i32
      %add3A_217 = arith.constant 112 : i32
      %add3A_218 = arith.addi %mul3A_216, %add3A_217 : i32
      %swap3A_219 = arith.index_cast %add3A_218 : i32 to index
      %swap3A_220 = tpu.vector_load %arg6[%swap3A_219] {strides = array<i32>} : memref<25600xi32, #tpu.memory_space<vmem>>, vector<16xi32>,
      %swap3A_221 = vector.shape_cast %swap3A_220 : vector<16xi32> to vector<16xi32>
      %swap3A_222 = vector.shape_cast %add3A_214 : vector<16xi32> to vector<16xi32>
      tpu.vector_store %arg6[%swap3A_219], %swap3A_222 {strides = array<i32>} : memref<25600xi32, #tpu.memory_space<vmem>>, vector<16xi32>,
    }
    %scan3A_7 = arith.constant 200 : i32
    %dma_start3A = arith.constant 0 : i32
    %dma_start3A_8 = tpu.memref_slice %arg3[%dma_start3A] : memref<16000000xf32, #tpu.memory_space<hbm>> -> memref<16000000xf32, #tpu.memory_space<hbm>>
    tpu.enqueue_indirect_dma source(%dma_start3A_8 : memref<16000000xf32, #tpu.memory_space<hbm>>) target(%arg7 : memref<25600xf32, #tpu.memory_space<vmem>>) offsets(%arg6 : memref<25600xi32, #tpu.memory_space<vmem>>) semaphore(%arg9 : memref<!tpu.dma_semaphore, #tpu.memory_space<semaphore_mem>>)
    %dma_wait3A = arith.constant 0 : i32
    %dma_wait3A_9 = tpu.memref_slice %arg3[%dma_wait3A] : memref<16000000xf32, #tpu.memory_space<hbm>> -> memref<16000000xf32, #tpu.memory_space<hbm>>
    tpu.wait_indirect_dma semaphore(%arg9 : memref<!tpu.dma_semaphore, #tpu.memory_space<semaphore_mem>>) src(%dma_wait3A_9 : memref<16000000xf32, #tpu.memory_space<hbm>>) dst(%arg7 : memref<25600xf32, #tpu.memory_space<vmem>>)
    %broadcast_in_dim3A = arith.constant 0.000000e+00 : f32
    %broadcast_in_dim3A_10 = vector.broadcast %broadcast_in_dim3A : f32 to vector<16xf32>
    %scan3A_11 = arith.constant 0 : i32
    %scan3A_12 = arith.constant 200 : i32
    %scan3A_13 = arith.addi %scan3A_11, %scan3A_12 : i32
    %scan3A_14 = arith.constant 1 : i32
    %scan3A_15:8 = scf.for %scan3A_50 = %scan3A_11 to %scan3A_13 step %scan3A_14 iter_args(%scan3A_51 = %broadcast_in_dim3A_10, %scan3A_52 = %broadcast_in_dim3A_10, %scan3A_53 = %broadcast_in_dim3A_10, %scan3A_54 = %broadcast_in_dim3A_10, %scan3A_55 = %broadcast_in_dim3A_10, %scan3A_56 = %broadcast_in_dim3A_10, %scan3A_57 = %broadcast_in_dim3A_10, %scan3A_58 = %broadcast_in_dim3A_10) -> (vector<16xf32>, vector<16xf32>, vector<16xf32>, vector<16xf32>, vector<16xf32>, vector<16xf32>, vector<16xf32>, vector<16xf32>)  : i32 {
      %mul3A_59 = arith.constant 128 : i32
      %mul3A_60 = arith.muli %scan3A_50, %mul3A_59 : i32
      %add3A_61 = arith.constant 0 : i32
      %add3A_62 = arith.addi %mul3A_60, %add3A_61 : i32
      %get3A = arith.index_cast %add3A_62 : i32 to index
      %get3A_63 = tpu.vector_load %arg7[%get3A] {strides = array<i32>} : memref<25600xf32, #tpu.memory_space<vmem>>, vector<16xf32>,
      %get3A_64 = vector.shape_cast %get3A_63 : vector<16xf32> to vector<16xf32>
      %add3A_65 = arith.addf %scan3A_51, %get3A_64 : vector<16xf32>
      %add3A_66 = arith.constant 16 : i32
      %add3A_67 = arith.addi %mul3A_60, %add3A_66 : i32
      %get3A_68 = arith.index_cast %add3A_67 : i32 to index
      %get3A_69 = tpu.vector_load %arg7[%get3A_68] {strides = array<i32>} : memref<25600xf32, #tpu.memory_space<vmem>>, vector<16xf32>,
      %get3A_70 = vector.shape_cast %get3A_69 : vector<16xf32> to vector<16xf32>
      %add3A_71 = arith.addf %scan3A_52, %get3A_70 : vector<16xf32>
      %add3A_72 = arith.constant 32 : i32
      %add3A_73 = arith.addi %mul3A_60, %add3A_72 : i32
      %get3A_74 = arith.index_cast %add3A_73 : i32 to index
      %get3A_75 = tpu.vector_load %arg7[%get3A_74] {strides = array<i32>} : memref<25600xf32, #tpu.memory_space<vmem>>, vector<16xf32>,
      %get3A_76 = vector.shape_cast %get3A_75 : vector<16xf32> to vector<16xf32>
      %add3A_77 = arith.addf %scan3A_53, %get3A_76 : vector<16xf32>
      %add3A_78 = arith.constant 48 : i32
      %add3A_79 = arith.addi %mul3A_60, %add3A_78 : i32
      %get3A_80 = arith.index_cast %add3A_79 : i32 to index
      %get3A_81 = tpu.vector_load %arg7[%get3A_80] {strides = array<i32>} : memref<25600xf32, #tpu.memory_space<vmem>>, vector<16xf32>,
      %get3A_82 = vector.shape_cast %get3A_81 : vector<16xf32> to vector<16xf32>
      %add3A_83 = arith.addf %scan3A_54, %get3A_82 : vector<16xf32>
      %add3A_84 = arith.constant 64 : i32
      %add3A_85 = arith.addi %mul3A_60, %add3A_84 : i32
      %get3A_86 = arith.index_cast %add3A_85 : i32 to index
      %get3A_87 = tpu.vector_load %arg7[%get3A_86] {strides = array<i32>} : memref<25600xf32, #tpu.memory_space<vmem>>, vector<16xf32>,
      %get3A_88 = vector.shape_cast %get3A_87 : vector<16xf32> to vector<16xf32>
      %add3A_89 = arith.addf %scan3A_55, %get3A_88 : vector<16xf32>
      %add3A_90 = arith.constant 80 : i32
      %add3A_91 = arith.addi %mul3A_60, %add3A_90 : i32
      %get3A_92 = arith.index_cast %add3A_91 : i32 to index
      %get3A_93 = tpu.vector_load %arg7[%get3A_92] {strides = array<i32>} : memref<25600xf32, #tpu.memory_space<vmem>>, vector<16xf32>,
      %get3A_94 = vector.shape_cast %get3A_93 : vector<16xf32> to vector<16xf32>
      %add3A_95 = arith.addf %scan3A_56, %get3A_94 : vector<16xf32>
      %add3A_96 = arith.constant 96 : i32
      %add3A_97 = arith.addi %mul3A_60, %add3A_96 : i32
      %get3A_98 = arith.index_cast %add3A_97 : i32 to index
      %get3A_99 = tpu.vector_load %arg7[%get3A_98] {strides = array<i32>} : memref<25600xf32, #tpu.memory_space<vmem>>, vector<16xf32>,
      %get3A_100 = vector.shape_cast %get3A_99 : vector<16xf32> to vector<16xf32>
      %add3A_101 = arith.addf %scan3A_57, %get3A_100 : vector<16xf32>
      %add3A_102 = arith.constant 112 : i32
      %add3A_103 = arith.addi %mul3A_60, %add3A_102 : i32
      %get3A_104 = arith.index_cast %add3A_103 : i32 to index
      %get3A_105 = tpu.vector_load %arg7[%get3A_104] {strides = array<i32>} : memref<25600xf32, #tpu.memory_space<vmem>>, vector<16xf32>,
      %get3A_106 = vector.shape_cast %get3A_105 : vector<16xf32> to vector<16xf32>
      %add3A_107 = arith.addf %scan3A_58, %get3A_106 : vector<16xf32>
      scf.yield %add3A_65, %add3A_71, %add3A_77, %add3A_83, %add3A_89, %add3A_95, %add3A_101, %add3A_107 : vector<16xf32>, vector<16xf32>, vector<16xf32>, vector<16xf32>, vector<16xf32>, vector<16xf32>, vector<16xf32>, vector<16xf32>
    }
    %scan3A_16 = arith.constant 200 : i32
    %swap3A = arith.constant 0 : index
    %swap3A_17 = tpu.vector_load %arg8[%swap3A] {strides = array<i32>} : memref<128xf32, #tpu.memory_space<vmem>>, vector<16xf32>,
    %swap3A_18 = vector.shape_cast %swap3A_17 : vector<16xf32> to vector<16xf32>
    %swap3A_19 = vector.shape_cast %scan3A_15#0 : vector<16xf32> to vector<16xf32>
    tpu.vector_store %arg8[%swap3A], %swap3A_19 {strides = array<i32>} : memref<128xf32, #tpu.memory_space<vmem>>, vector<16xf32>,
    %swap3A_20 = arith.constant 16 : index
    %swap3A_21 = tpu.vector_load %arg8[%swap3A_20] {strides = array<i32>} : memref<128xf32, #tpu.memory_space<vmem>>, vector<16xf32>,
    %swap3A_22 = vector.shape_cast %swap3A_21 : vector<16xf32> to vector<16xf32>
    %swap3A_23 = vector.shape_cast %scan3A_15#1 : vector<16xf32> to vector<16xf32>
    tpu.vector_store %arg8[%swap3A_20], %swap3A_23 {strides = array<i32>} : memref<128xf32, #tpu.memory_space<vmem>>, vector<16xf32>,
    %swap3A_24 = arith.constant 32 : index
    %swap3A_25 = tpu.vector_load %arg8[%swap3A_24] {strides = array<i32>} : memref<128xf32, #tpu.memory_space<vmem>>, vector<16xf32>,
    %swap3A_26 = vector.shape_cast %swap3A_25 : vector<16xf32> to vector<16xf32>
    %swap3A_27 = vector.shape_cast %scan3A_15#2 : vector<16xf32> to vector<16xf32>
    tpu.vector_store %arg8[%swap3A_24], %swap3A_27 {strides = array<i32>} : memref<128xf32, #tpu.memory_space<vmem>>, vector<16xf32>,
    %swap3A_28 = arith.constant 48 : index
    %swap3A_29 = tpu.vector_load %arg8[%swap3A_28] {strides = array<i32>} : memref<128xf32, #tpu.memory_space<vmem>>, vector<16xf32>,
    %swap3A_30 = vector.shape_cast %swap3A_29 : vector<16xf32> to vector<16xf32>
    %swap3A_31 = vector.shape_cast %scan3A_15#3 : vector<16xf32> to vector<16xf32>
    tpu.vector_store %arg8[%swap3A_28], %swap3A_31 {strides = array<i32>} : memref<128xf32, #tpu.memory_space<vmem>>, vector<16xf32>,
    %swap3A_32 = arith.constant 64 : index
    %swap3A_33 = tpu.vector_load %arg8[%swap3A_32] {strides = array<i32>} : memref<128xf32, #tpu.memory_space<vmem>>, vector<16xf32>,
    %swap3A_34 = vector.shape_cast %swap3A_33 : vector<16xf32> to vector<16xf32>
    %swap3A_35 = vector.shape_cast %scan3A_15#4 : vector<16xf32> to vector<16xf32>
    tpu.vector_store %arg8[%swap3A_32], %swap3A_35 {strides = array<i32>} : memref<128xf32, #tpu.memory_space<vmem>>, vector<16xf32>,
    %swap3A_36 = arith.constant 80 : index
    %swap3A_37 = tpu.vector_load %arg8[%swap3A_36] {strides = array<i32>} : memref<128xf32, #tpu.memory_space<vmem>>, vector<16xf32>,
    %swap3A_38 = vector.shape_cast %swap3A_37 : vector<16xf32> to vector<16xf32>
    %swap3A_39 = vector.shape_cast %scan3A_15#5 : vector<16xf32> to vector<16xf32>
    tpu.vector_store %arg8[%swap3A_36], %swap3A_39 {strides = array<i32>} : memref<128xf32, #tpu.memory_space<vmem>>, vector<16xf32>,
    %swap3A_40 = arith.constant 96 : index
    %swap3A_41 = tpu.vector_load %arg8[%swap3A_40] {strides = array<i32>} : memref<128xf32, #tpu.memory_space<vmem>>, vector<16xf32>,
    %swap3A_42 = vector.shape_cast %swap3A_41 : vector<16xf32> to vector<16xf32>
    %swap3A_43 = vector.shape_cast %scan3A_15#6 : vector<16xf32> to vector<16xf32>
    tpu.vector_store %arg8[%swap3A_40], %swap3A_43 {strides = array<i32>} : memref<128xf32, #tpu.memory_space<vmem>>, vector<16xf32>,
    %swap3A_44 = arith.constant 112 : index
    %swap3A_45 = tpu.vector_load %arg8[%swap3A_44] {strides = array<i32>} : memref<128xf32, #tpu.memory_space<vmem>>, vector<16xf32>,
    %swap3A_46 = vector.shape_cast %swap3A_45 : vector<16xf32> to vector<16xf32>
    %swap3A_47 = vector.shape_cast %scan3A_15#7 : vector<16xf32> to vector<16xf32>
    tpu.vector_store %arg8[%swap3A_44], %swap3A_47 {strides = array<i32>} : memref<128xf32, #tpu.memory_space<vmem>>, vector<16xf32>,
    %mul3A_48 = arith.constant 128 : i32
    %mul3A_49 = arith.muli %add3A, %mul3A_48 : i32
    "tpu.region"() ({
      %run_scoped3A = tpu.sem_alloc : memref<!tpu.dma_semaphore, #tpu.memory_space<semaphore_mem>>
      %dma_start3A_50 = tpu.memref_slice %arg4[%mul3A_49] : memref<4096xf32, #tpu.memory_space<hbm>> -> memref<128xf32, #tpu.memory_space<hbm>>
      %dma_start3A_51 = tpu.memref_slice %arg4[%mul3A_49] : memref<4096xf32, #tpu.memory_space<hbm>> -> memref<128xf32, #tpu.memory_space<hbm>>
      tpu.enqueue_dma source(%arg8 : memref<128xf32, #tpu.memory_space<vmem>>) target(%dma_start3A_51 : memref<128xf32, #tpu.memory_space<hbm>>) target_semaphore(%run_scoped3A : memref<!tpu.dma_semaphore, #tpu.memory_space<semaphore_mem>>)
      %dma_wait3A_52 = tpu.memref_slice %arg4[%mul3A_49] : memref<4096xf32, #tpu.memory_space<hbm>> -> memref<128xf32, #tpu.memory_space<hbm>>
      %dma_wait3A_53 = tpu.memref_slice %arg4[%mul3A_49] : memref<4096xf32, #tpu.memory_space<hbm>> -> memref<128xf32, #tpu.memory_space<hbm>>
      tpu.wait_dma2 semaphore(%run_scoped3A : memref<!tpu.dma_semaphore, #tpu.memory_space<semaphore_mem>>) src(%arg8 : memref<128xf32, #tpu.memory_space<vmem>>) dst(%dma_wait3A_53 : memref<128xf32, #tpu.memory_space<hbm>>)
      tpu.yield
    }) : () -> ()
    return
  }
}

module attributes {stable_mosaic.version = 14 : i64} {
  func.func @_matvec_body(%arg0: i32, %arg1: memref<5000x512xf32, #tpu.memory_space<vmem>>, %arg2: memref<512x128xbf16, #tpu.memory_space<vmem>>, %arg3: memref<640000xf32, #tpu.memory_space<vmem>>) attributes {dimension_semantics = [#tpu.dimension_semantics<arbitrary>], iteration_bounds = array<i64: 25>, scalar_prefetch = 0 : i64, scratch_operands = 0 : i64, tpu.core_type = #tpu.core_type<tc>, window_params = [{transform_indices = @transform_0, window_bounds = array<i64: 5000, 512>}, {pipeline_mode = #tpu.pipeline_mode<synchronous>, transform_indices = @transform_1, window_bounds = array<i64: 512, 128>}, {transform_indices = @transform_2, window_bounds = array<i64: 640000>}]} {
    %get3A = arith.constant 0 : index
    %get3A_0 = arith.constant 0 : index
    %get3A_1 = vector.load %arg1[%get3A, %get3A_0] : memref<5000x512xf32, #tpu.memory_space<vmem>>, vector<5000x512xf32>
    %convert_element_type3A = arith.truncf %get3A_1 : vector<5000x512xf32> to vector<5000x512xbf16>
    %get3A_2 = arith.constant 0 : index
    %get3A_3 = arith.constant 0 : index
    %get3A_4 = vector.load %arg2[%get3A_2, %get3A_3] : memref<512x128xbf16, #tpu.memory_space<vmem>>, vector<512x128xbf16>
    %dot_general3A = arith.constant dense<0.000000e+00> : vector<5000x128xf32>
    %dot_general3A_5 = tpu.matmul %convert_element_type3A, %get3A_4, %dot_general3A {dimension_numbers = #tpu.dot_dimension_numbers<[1], [0], [0], [1], [0, 0, 1, 1], [], []>, transpose_lhs_hint = false} : vector<5000x512xbf16>, vector<512x128xbf16>, vector<5000x128xf32> -> vector<5000x128xf32>
    %reshape3A = vector.shape_cast %dot_general3A_5 : vector<5000x128xf32> to vector<640000xf32>
    %swap3A = arith.constant 0 : index
    %swap3A_6 = vector.load %arg3[%swap3A] : memref<640000xf32, #tpu.memory_space<vmem>>, vector<640000xf32>
    tpu.vector_store %arg3[%swap3A], %reshape3A {strides = array<i32>} : memref<640000xf32, #tpu.memory_space<vmem>>, vector<640000xf32>,
    return
  }
  func.func @transform_0(%arg0: i32) -> (i32, i32) {
    %c0_i32 = arith.constant 0 : i32
    %c0_i32_0 = arith.constant 0 : i32
    return %arg0, %c0_i32 : i32, i32
  }
  func.func @transform_1(%arg0: i32) -> (i32, i32) {
    %c0_i32 = arith.constant 0 : i32
    %c0_i32_0 = arith.constant 0 : i32
    %c0_i32_1 = arith.constant 0 : i32
    return %c0_i32, %c0_i32_0 : i32, i32
  }
  func.func @transform_2(%arg0: i32) -> i32 {
    %c0_i32 = arith.constant 0 : i32
    return %arg0 : i32
  }
}

</mosaic_0001>

<sc_bundles>
// kernel: kernel.4.cloned.1.call-start
scs
__scs_entry_jumppad:
0x0: {  	(pc) =	sbr.rel $0x88, $3  }
0x1: {  	(tag) =	ssettag $0x0;
	lr =	simm.s32 $0x1  }
0x2: {  	[smem:$0x3F9D] =	sst lr;
	_ =	strace $0xD0000000  }
0x3: {  	_ = 	snop  }
0x4: {  	_ = 	snop  }
0x5: {  	_ = 	snop  }
0x6: {  	_ = 	snop  }
0x7: {  	_ = 	snop  }
__scs_overlays_trampoline_lowered:
0x8: {  	[smem:$0x3FAC] =	sst s0  }
0x9: {  	[smem:$0x3FAD] =	sst s1  }
0xa: {  	[smem:$0x3FAE] =	sst s2  }
0xb: {  	[smem:$0x3FAF] =	sst s3  }
0xc: {  	[smem:$0x3FB0] =	sst s4  }
0xd: {  	[smem:$0x3FB1] =	sst s5  }
0xe: {  	[smem:$0x3FB2] =	sst s6  }
0xf: {  	[smem:$0x3FB3] =	sst s7  }
0x10: {  	[smem:$0x3FB4] =	sst s8  }
0x11: {  	[smem:$0x3FB5] =	sst s9;
	s0 =	simm.s32 @!p0 $0x0  }
0x12: {  	s1 =	sld [smem:$0x3F9B];
	s0 =	simm.s32 @p0 $0x1  }
0x13: {  	[smem:$0x3FB6] =	sst s0;
	s0 =	simm.s32 @!p1 $0x0  }
0x14: {  	s2 =	sld [smem:$0x3F9A];
	s0 =	simm.s32 @p1 $0x1  }
0x15: {  	[smem:$0x3FB7] =	sst s0;
	s0 =	simm.s32 @!p2 $0x0  }
0x16: {  	s3 =	sld [smem:$0x3FDB];
	s0 =	simm.s32 @p2 $0x1  }
0x17: {  	s4 =	simm.s32 $0x1BF5;
	[smem:$0x3FB9] =	sst s0  }
0x18: {  	s0 =	sld [smem:$0x3F9C];
	_ =	swait.ge [sflag:s4], $0x0  }
0x19: {  	s7 =	sld [smem:$0x3F9D]  }
0x1a: {  	s8 =	sadd.s32 $0xFFFFE003, lr  }
0x1b: {  	s9 =	sadd.s32 $0xFFFFFEF7, lr;
	s5 =	simm.s32 $0xFFFFFFFF;
	p2 =	slt.u32 s8, $0xFFFFF086  }
0x1c: {  	p1 =	slt.u32 s9, $0xF7A;
	s5 =	simm.s32 @!p2 $0x0  }
0x1d: {  	s5 =	simm.s32 @p1 $0x1;
	p0 =	seq.s32 s7, s2  }
0x1e: {  	s7 =	smul.u32 @!p0 $0xF7A, s2;
	p2 =	seq.s32 @!p0 s5, $0x0  }
0x1f: {  	s9 =	smul.u32 $0xF7A, s1;
	s8 =	simm.s32 @!p0 $0x1BF5;
	p2 =	por !p2, p0  }
0x20: {  	[sflag:s8] =	ssyncset.s32 @!p0 $0xFFFFF086;
	s6 =	sadd.s32 @!p0 s3, s7;
	s7 =	simm.s32 @!p0 $0x108  }
0x21: {  	s3 =	sadd.s32 s3, s9;
	s6 =	sadd.s32 @!p0 $0x88, s6;
	s7 =	simm.s32 @p2 $0x1082  }
0x22: {  	[simem:s7], [sflag:s8] =	dma.local @!p0 [hbm:s6], $0xF7A  }
0x23: {  	s9 =	sor.u32 $0xD0000000, s2;
	s6 =	simm.s32 $0x108;
	_ =	swait.ge @!p0 [sflag:s8], $0x0  }
0x24: {  	s3 =	sadd.s32 $0x88, s3;
	s6 =	simm.s32 @!p1 $0x1082;
	[sflag:s4] =	ssyncset.s32 $0xFFFFF086  }
0x25: {  	[simem:s6], [sflag:s4] =	dma.local [hbm:s3], $0xF7A  }
0x26: {  	[smem:$0x3F9D] =	sst s1;
	(tag) =	ssettag s2;
	_ =	strace s9  }
0x27: {  	s1 =	sld [smem:$0x3FAD]  }
0x28: {  	s2 =	sld [smem:$0x3FAE]  }
0x29: {  	s4 =	sld [smem:$0x3FB0]  }
0x2a: {  	p0 =	seq.s32 s5, $0x0;
	s5 =	sld [smem:$0x3FB1]  }
0x2b: {  	s6 =	sld [smem:$0x3FB2]  }
0x2c: {  	s7 =	sld [smem:$0x3FB3]  }
0x2d: {  	s3 =	simm.s32 $0x108;
	s8 =	sld [smem:$0x3FB4]  }
0x2e: {  	s3 =	simm.s32 @!p0 $0x1082;
	s9 =	sld [smem:$0x3FB5]  }
0x2f: {  	lr =	sadd.s32 s0, s3;
	s0 =	sld [smem:$0x3FAC]  }
0x30: {  	s3 =	sld [smem:$0x3FAF]  }
0x31: {  	[smem:$0x3FB8] =	sst s10  }
0x32: {  	s10 =	sld [smem:$0x3FB6];
	_ =	sdelay $0x3  }
0x33: {  	p0 =	seq.s32 s10, $0x1;
	s10 =	sld [smem:$0x3FB8];
	_ =	sdelay $0x3  }
0x34: {  	[smem:$0x3FB8] =	sst s10  }
0x35: {  	s10 =	sld [smem:$0x3FB7];
	_ =	sdelay $0x3  }
0x36: {  	p1 =	seq.s32 s10, $0x1;
	s10 =	sld [smem:$0x3FB8];
	_ =	sdelay $0x3  }
0x37: {  	[smem:$0x3FB8] =	sst s10  }
0x38: {  	s10 =	sld [smem:$0x3FB9]  }
0x39: {  	_ = 	snop;
	(pc) =	sbr.ind lr, $3  }
0x3a: {  	_ = 	snop  }
0x3b: {  	_ = 	snop  }
0x3c: {  	p2 =	seq.s32 s10, $0x1;
	s10 =	sld [smem:$0x3FB8]  }
0x3d: {  	_ =	shalt  }
0x3e: {  	_ =	shalt  }
0x3f: {  	_ =	shalt  }
0x40: {  	_ =	shalt  }
0x41: {  	_ =	shalt  }
0x42: {  	_ =	shalt  }
0x43: {  	_ =	shalt  }
0x44: {  	_ =	shalt  }
0x45: {  	_ =	shalt  }
0x46: {  	_ =	shalt  }
0x47: {  	_ =	shalt  }
0x48: {  	_ =	shalt  }
0x49: {  	_ =	shalt  }
0x4a: {  	_ =	shalt  }
0x4b: {  	_ =	shalt  }
0x4c: {  	_ =	shalt  }
0x4d: {  	_ =	shalt  }
0x4e: {  	_ =	shalt  }
0x4f: {  	_ =	shalt  }
0x50: {  	_ =	shalt  }
0x51: {  	_ =	shalt  }
0x52: {  	_ =	shalt  }
0x53: {  	_ =	shalt  }
0x54: {  	_ =	shalt  }
0x55: {  	_ =	shalt  }
0x56: {  	_ =	shalt  }
0x57: {  	_ =	shalt  }
0x58: {  	_ =	shalt  }
0x59: {  	_ =	shalt  }
0x5a: {  	_ =	shalt  }
0x5b: {  	_ =	shalt  }
0x5c: {  	_ =	shalt  }
0x5d: {  	_ =	shalt  }
0x5e: {  	_ =	shalt  }
0x5f: {  	_ =	shalt  }
0x60: {  	_ =	shalt  }
0x61: {  	_ =	shalt  }
0x62: {  	_ =	shalt  }
0x63: {  	_ =	shalt  }
0x64: {  	_ =	shalt  }
0x65: {  	_ =	shalt  }
0x66: {  	_ =	shalt  }
0x67: {  	_ =	shalt  }
0x68: {  	_ =	shalt  }
0x69: {  	_ =	shalt  }
0x6a: {  	_ =	shalt  }
0x6b: {  	_ =	shalt  }
0x6c: {  	_ =	shalt  }
0x6d: {  	_ =	shalt  }
0x6e: {  	_ =	shalt  }
0x6f: {  	_ =	shalt  }
0x70: {  	_ =	shalt  }
0x71: {  	_ =	shalt  }
0x72: {  	_ =	shalt  }
0x73: {  	_ =	shalt  }
0x74: {  	_ =	shalt  }
0x75: {  	_ =	shalt  }
0x76: {  	_ =	shalt  }
0x77: {  	_ =	shalt  }
0x78: {  	_ =	shalt  }
0x79: {  	_ =	shalt  }
0x7a: {  	_ =	shalt  }
0x7b: {  	_ =	shalt  }
0x7c: {  	_ =	shalt  }
0x7d: {  	_ =	shalt  }
0x7e: {  	_ =	shalt  }
0x7f: {  	_ =	shalt  }
0x80: {  	_ =	shalt  }
0x81: {  	_ =	shalt  }
0x82: {  	_ =	shalt  }
0x83: {  	_ =	shalt  }
0x84: {  	_ =	shalt  }
0x85: {  	_ =	shalt  }
0x86: {  	_ =	shalt  }
0x87: {  	_ =	shalt  }
.Lfunc_end0:
.L_simem_size_0:
called_computation_lowered:
.L_overlay_start_0:
0x88: {  	s2 =	sld [smem:$0x3FD9]  }
0x89: {  	s3 =	sld [smem:$0x3FFE];
	_ =	sdelay $0x1  }
0x8a: {  	s1 =	srdreg.scid  }
0x8b: {  	s0 =	sand.u32 $0x1, s1  }
0x8c: {  	s17 =	sshll.u32 s0, $0xA;
	s2 =	sadd.s32 s3, s2  }
0x8d: {  	s2 =	sadd.s32 s2, s17  }
0x8e: {  	[smem:$0x3FC4] =	sst s2  }
0x8f: {  	_ = 	snop  }
0x90: {  	s2 =	sld [smem:$0x3FC9]  }
0x91: {  	s18 =	sld [smem:$0x3FD0];
	(tm) =	ssettm $0x1  }
0x92: {  	s4 =	sld [smem:$0x3FFB];
	_ =	sdelay $0x3  }
0x93: {  	_ =	strace s4  }
0x94: {  	s4 =	sld [smem:$0x3FFC];
	_ =	sdelay $0x3  }
0x95: {  	_ =	strace s4  }
0x96: {  	s4 =	sld [smem:$0x3FFD];
	_ =	sdelay $0x3  }
0x97: {  	_ =	strace s4  }
0x98: {  	_ =	strace $0x8FFFFFFF  }
0x99: {  	s19 =	sld [smem:$0x3FDB];
	_ =	sdelay $0x1  }
0x9a: {  	s5 =	simm.s32 $_scs_section_size  }
0x9b: {  	s6 =	simm.s32 $_size__tile_overlayer_lowered;
	s7 =	simm.s32 $_tile_overlayer_lowered  }
0x9c: {  	s22 =	simm.s32 $0x1BFF;
	s21 =	sshll.u32 s7, $0x1;
	s4 =	sadd.s32 s5, s19  }
0x9d: {  	s8 =	simm.s32 $0x0;
	s20 =	sshll.u32 s6, $0x1;
	s6 =	sadd.s32 s21, s4  }
0x9e: {  	[timem:s8], [sflag:s22] =	dma.local [hbm:s6], s20  }
0x9f: {  	_ =	swait.ge [sflag:s22], s20  }
0xa0: {  	s5 =	ssub.s32 $0x0, s20;
	[sflag:s22] =	ssyncset.done $0x0  }
0xa1: {  	[sflag:s22] =	ssyncadd.s32 s5;
	_ =	sdelay $0x1  }
0xa2: {  	s23 =	simm.s32 $0x1B8B  }
0xa3: {  	_ =	swait.ge [sflag:s23], $0x1  }
0xa4: {  	[sflag:s23] =	ssyncset.done $0x0  }
0xa5: {  	s25 =	simm.s32 $0x1B8E;
	s24 =	sld [smem:$0x3FFE];
	[sflag:s23] =	ssyncadd.s32 $0xFFFFFFFF  }
0xa6: {  	s26 =	simm.s32 $execute0_lowered;
	[smem:$0x3FD2] =	sst s25  }
0xa7: {  	s6 =	sshll.u32 s26, $0x1;
	_ =	strace $0x80000046;
	[dreg:$0x1] =	wrdreg $0xFFFFFFFF  }
0xa8: {  	s28 =	simm.s32 $_size_execute0_lowered;
	s4 =	sadd.s32 s4, s6;
	[dreg:$0x0] =	wrdreg $0x0  }
0xa9: {  	s6 =	sshll.u32 s28, $0x1;
	[dreg:$0x2] =	wrdreg s4  }
0xaa: {  	[dreg:$0x3] =	wrdreg s6  }
0xab: {  	[dreg:$0x4] =	wrdreg $0xC0  }
0xac: {  	_ =	task [dreg:s8], $0x5FFFF  }
0xad: {  	[dreg:$0x1] =	wrdreg $0xFFFFFFFF  }
0xae: {  	[dreg:$0x0] =	wrdreg $0x60  }
0xaf: {  	[dreg:$0x2] =	wrdreg s2  }
0xb0: {  	[dreg:$0x3] =	wrdreg s24  }
0xb1: {  	[dreg:$0x4] =	wrdreg s18  }
0xb2: {  	[dreg:$0x5] =	wrdreg $0x9  }
0xb3: {  	_ =	task.clear_ibuf [dreg:s8], $0x6FFFF;
	_ =	strace $0x90000046  }
0xb4: {  	s29 =	simm.s32 $0x9;
	_ =	strace $0x80000048  }
0xb5: {  	_ =	swait.ge [sflag:s29], $0x1  }
0xb6: {  	[sflag:s29] =	ssyncadd.s32 $0xFFFFFFFF  }
0xb7: {  	_ =	strace $0x90000048  }
0xb8: {  	_ =	sfence  }
0xb9: {  	s30 =	sld [smem:$0x0];
	_ =	sdelay $0x2  }
0xba: {  	s31 =	sshll.u32 s1, $0xD;
	s1 =	sshrl.u32 s1, $0x2  }
0xbb: {  	s3 =	sand.u32 $0x4000, s31;
	s1 =	sadd.s32 s1, s30  }
0xbc: {  	s0 =	sor.u32 s3, s0;
	s1 =	sshll.u32 s1, $0x11  }
0xbd: {  	s0 =	sor.u32 s1, s0  }
0xbe: {  	s0 =	sadd.s32 $0x8F2B, s0  }
0xbf: {  	[sflag:s0] =	ssyncadd.remote.s32 $0x1  }
0xc0: {  	_ =	sfence.sel $0xFFFF  }
0xc1: {  	[dreg:$0x0] =	wrdreg $0xFFFFFFFF;
	(pc) =	sbr.abs _section_cstart, $3  }
0xc2: {  	[dreg:$0x1] =	wrdreg $0xFFFFFFFF  }
0xc3: {  	_ =	task.clear_ibuf [dreg:s8], $0x2FFFF;
	_ =	strace $0x9FFFFFFF  }
0xc4: {  	(tm) =	ssettm $0x7FFFFFFF  }
0xc5: {  	_ =	shalt  }
tec
execute0_lowered:
.L_overlay_start_1:
0x0: {  	(tag) =	ssettag $0x1  }
0x1: {  	s4 =	rddreg [dreg:$0x0]  }
0x2: {  	s3 =	rddreg [dreg:$0x1]  }
0x3: {  	s5 =	rddreg [dreg:$0x2]  }
0x4: {  	s0 =	rddreg [dreg:$0x3];
	s2 =	simm.s32 $0x0  }
0x5: {  	s6 =	srdreg.scid;
	s1 =	stileid.u32;
	s10 =	simm.s32 $0x6400  }
0x6: {  	s11 =	simm.s32 $0xC800;
	s12 =	simm.s32 $0x1;
	s13 =	simm.s32 $0x12C00  }
0x7: {  	s14 =	simm.s32 $0x0;
	[smem:$0x7FF] =	sst s2;
	s6 =	sand.u32 $0x1, s6  }
0x8: {  	s7 =	sshll.u32 s1, $0x1;
	s3 =	sadd.s32 $0x800, s3;
	s8 =	ssub.s32 $0x2, s6  }
0x9: {  	_ =	strace $0x80000047;
	s6 =	sor.u32 s6, s7;
	s31 =	sshrl.u32 s8, $0x1  }
0xa: {  	s9 =	sshll.u32 s6, $0x7;
	s6 =	sshll.u32 s6, $0x4;
	s7 =	ssub.s32 s8, s31  }
0xb: {  	s4 =	sadd.s32 s4, s9;
	s5 =	sadd.s32 s5, s6;
	s8 =	simm.s32 $0x8000  }
0xc: {  	s9 =	simm.s32 $0x2;
	s6 =	smax.u32 s7, $0x1;
	s7 =	simm.s32 $0x400  }
.LBB2_1:
0xd: {  	[tilespmem:s2], [sflag:$0x2] =	stream.strided.gather [hbm4b:s4+s7], $0x6400, s8, s7, $0x38;
	[tilespmem:$0x12C80] =	vst v63  }
0xe: {  	_ =	swait.ge [sflag:s9], $0x6400  }
0xf: {  	[sflag:s9] =	ssyncset.done $0x0  }
0x10: {  	s16 =	simm.s32 $0x0;
	[sflag:s9] =	ssyncadd.s32 $0xFFFF9C00  }
0x11: {  	v0 =	vld [tilespmem:s16+$0x70]  }
0x12: {  	v3 =	vld [tilespmem:s16+$0x20]  }
0x13: {  	v4 =	vld [tilespmem:s16+$0x30]  }
0x14: {  	v5 =	vld [tilespmem:s16+$0x40]  }
0x15: {  	v7 =	vld [tilespmem:s16+$0x50]  }
0x16: {  	v8 =	vld [tilespmem:s16+$0x60];
	_ =	sdelay $0x1  }
0x17: {  	v2 =	vld [tilespmem:s16+$0x10];
	v6 =	vshll.u32 v0, $0x4;
	v0 =	vand.u32 $0x7, v0;
	v11 =	vshll.u32 v3, $0x4  }
0x18: {  	v1 =	vld [tilespmem:s16+$0x0];
	v12 =	vshll.u32 v4, $0x4;
	v3 =	vand.u32 $0x7, v3;
	v15 =	vshll.u32 v5, $0x4  }
0x19: {  	v4 =	vand.u32 $0x7, v4;
	v16 =	vshll.u32 v7, $0x4;
	v6 =	vand.u32 $0xFFFFFF80, v6  }
0x1a: {  	v5 =	vand.u32 $0x7, v5;
	v17 =	vshll.u32 v8, $0x4;
	v0 =	vor.u32 v0, v6  }
0x1b: {  	s15 =	simm.s32 $0x80;
	v8 =	vand.u32 $0x7, v8;
	v11 =	vand.u32 $0xFFFFFF80, v11;
	v12 =	vand.u32 $0xFFFFFF80, v12;
	[tilespmem:s16+$0x6470] =	vst v0  }
0x1c: {  	v15 =	vand.u32 $0xFFFFFF80, v15;
	v16 =	vand.u32 $0xFFFFFF80, v16;
	v6 =	vshll.u32 v2, $0x4;
	v9 =	vld [tilespmem:s15+$0x70]  }
0x1d: {  	v2 =	vand.u32 $0x7, v2;
	v3 =	vor.u32 v3, v11;
	v0 =	vshll.u32 v1, $0x4;
	v10 =	vld [tilespmem:s15+$0x0]  }
0x1e: {  	v11 =	vor.u32 v4, v12;
	v1 =	vand.u32 $0x7, v1;
	v0 =	vand.u32 $0xFFFFFF80, v0;
	v14 =	vld [tilespmem:s15+$0x20]  }
0x1f: {  	v12 =	vor.u32 v5, v15;
	v6 =	vand.u32 $0xFFFFFF80, v6;
	v13 =	vld [tilespmem:s15+$0x10];
	v1 =	vor.u32 v1, v0  }
0x20: {  	v2 =	vor.u32 v2, v6;
	v6 =	vand.u32 $0x7, v7;
	v7 =	vand.u32 $0xFFFFFF80, v17;
	v0 =	vld [tilespmem:s15+$0x30];
	[tilespmem:s16+$0x6400] =	vst v1  }
0x21: {  	v15 =	vor.u32 v6, v16;
	v5 =	vor.u32 v8, v7;
	v1 =	vld [tilespmem:s15+$0x40];
	[tilespmem:s16+$0x6410] =	vst v2;
	v4 =	vshll.u32 v9, $0x4  }
0x22: {  	v2 =	vld [tilespmem:s15+$0x50];
	[tilespmem:s16+$0x6420] =	vst v3;
	v6 =	vshll.u32 v10, $0x4;
	v8 =	vand.u32 $0x7, v9;
	v7 =	vand.u32 $0xFFFFFF80, v4  }
0x23: {  	v3 =	vld [tilespmem:s15+$0x60];
	[tilespmem:s16+$0x6430] =	vst v11;
	v9 =	vshll.u32 v14, $0x4;
	v11 =	vand.u32 $0x7, v14;
	v7 =	vor.u32 v8, v7  }
0x24: {  	v4 =	vand.u32 $0xFFFFFF80, v6;
	v6 =	vshll.u32 v13, $0x4;
	v8 =	vand.u32 $0x7, v10;
	[tilespmem:s15+$0x6470] =	vst v7  }
0x25: {  	v6 =	vand.u32 $0xFFFFFF80, v6;
	v7 =	vand.u32 $0xFFFFFF80, v9;
	v9 =	vshll.u32 v0, $0x4;
	[tilespmem:s16+$0x6440] =	vst v12  }
0x26: {  	s17 =	simm.s32 $0x100;
	s18 =	simm.s32 $0x600;
	v10 =	vand.u32 $0x7, v13;
	v9 =	vand.u32 $0xFFFFFF80, v9;
	v12 =	vshll.u32 v1, $0x4;
	[tilespmem:s16+$0x6450] =	vst v15  }
.LBB2_2:
0x27: {  	p0 =	sne.s32 s18, $0x18E00;
	v13 =	vld [tilespmem:s17+$0x70];
	v14 =	vand.u32 $0x7, v0;
	v12 =	vand.u32 $0xFFFFFF80, v12;
	v0 =	vshll.u32 v2, $0x4;
	[tilespmem:s16+$0x6460] =	vst v5;
	s16 =	smov.u32 s15;
	s15 =	smov.u32 s17  }
0x28: {  	v1 =	vand.u32 $0x7, v1;
	v15 =	vld [tilespmem:s15+$0x0];
	v5 =	vand.u32 $0xFFFFFF80, v0;
	v0 =	vshll.u32 v3, $0x4  }
0x29: {  	v2 =	vand.u32 $0x7, v2;
	v3 =	vand.u32 $0x7, v3;
	v16 =	vld [tilespmem:s15+$0x10];
	v17 =	vand.u32 $0xFFFFFF80, v0  }
0x2a: {  	v4 =	vor.u32 v8, v4;
	v6 =	vor.u32 v10, v6;
	v7 =	vor.u32 v11, v7;
	v18 =	vld [tilespmem:s15+$0x20]  }
0x2b: {  	v8 =	vor.u32 v14, v9;
	v9 =	vor.u32 v1, v12;
	v14 =	vor.u32 v2, v5;
	v0 =	vld [tilespmem:s15+$0x30];
	[tilespmem:s16+$0x6400] =	vst v4  }
0x2c: {  	v5 =	vor.u32 v3, v17;
	v1 =	vld [tilespmem:s15+$0x40];
	v4 =	vshll.u32 v13, $0x4;
	[tilespmem:s16+$0x6410] =	vst v6  }
.Ltmp0:
0x2d: {  	v10 =	vand.u32 $0x7, v13;
	v3 =	vshll.u32 v15, $0x4;
	v2 =	vld [tilespmem:s15+$0x50];
	v6 =	vand.u32 $0xFFFFFF80, v4;
	[tilespmem:s16+$0x6420] =	vst v7;
	(pc) =	sbr.rel @p0 .LBB2_2-.Ltmp0, $4  }
0x2e: {  	v4 =	vand.u32 $0xFFFFFF80, v3;
	v7 =	vshll.u32 v16, $0x4;
	v3 =	vld [tilespmem:s15+$0x60];
	v10 =	vor.u32 v10, v6;
	[tilespmem:s16+$0x6430] =	vst v8  }
0x2f: {  	v8 =	vand.u32 $0x7, v15;
	v6 =	vand.u32 $0xFFFFFF80, v7;
	v7 =	vshll.u32 v18, $0x4;
	[tilespmem:s15+$0x6470] =	vst v10  }
0x30: {  	v10 =	vand.u32 $0x7, v16;
	v7 =	vand.u32 $0xFFFFFF80, v7;
	v12 =	vshll.u32 v0, $0x4;
	[tilespmem:s16+$0x6440] =	vst v9  }
0x31: {  	s17 =	sshra.s32 s18, $0x2;
	s18 =	sadd.s32 $0x200, s18;
	v11 =	vand.u32 $0x7, v18;
	v9 =	vand.u32 $0xFFFFFF80, v12;
	v12 =	vshll.u32 v1, $0x4;
	[tilespmem:s16+$0x6450] =	vst v14  }
0x32: {  	v13 =	vld [tilespmem:s17+$0x70];
	[tilespmem:s16+$0x6460] =	vst v5  }
0x33: {  	v5 =	vld [tilespmem:s17+$0x0]  }
0x34: {  	v4 =	vor.u32 v8, v4;
	v0 =	vand.u32 $0x7, v0;
	v14 =	vld [tilespmem:s17+$0x10]  }
0x35: {  	v6 =	vor.u32 v10, v6;
	v1 =	vand.u32 $0x7, v1;
	v7 =	vor.u32 v11, v7;
	v15 =	vld [tilespmem:s17+$0x20]  }
0x36: {  	v8 =	vld [tilespmem:s17+$0x30];
	[tilespmem:s15+$0x6400] =	vst v4;
	v4 =	vand.u32 $0xFFFFFF80, v12;
	v12 =	vshll.u32 v2, $0x4;
	v16 =	vshll.u32 v3, $0x4  }
0x37: {  	v2 =	vand.u32 $0x7, v2;
	v3 =	vand.u32 $0x7, v3;
	v0 =	vor.u32 v0, v9  }
0x38: {  	v10 =	vld [tilespmem:s17+$0x40];
	v12 =	vand.u32 $0xFFFFFF80, v12;
	[tilespmem:s15+$0x6410] =	vst v6;
	v6 =	vand.u32 $0xFFFFFF80, v16;
	v9 =	vshll.u32 v13, $0x4  }
0x39: {  	v1 =	vor.u32 v1, v4;
	v11 =	vld [tilespmem:s17+$0x50];
	[tilespmem:s15+$0x6420] =	vst v7;
	v7 =	vand.u32 $0x7, v13;
	v4 =	vand.u32 $0xFFFFFF80, v9  }
0x3a: {  	v2 =	vor.u32 v2, v12;
	v9 =	vld [tilespmem:s17+$0x60];
	v12 =	vshll.u32 v5, $0x4;
	[tilespmem:s15+$0x6430] =	vst v0;
	v4 =	vor.u32 v7, v4  }
0x3b: {  	v0 =	vor.u32 v3, v6;
	v6 =	vshll.u32 v14, $0x4;
	v3 =	vand.u32 $0xFFFFFF80, v12;
	[tilespmem:s17+$0x6470] =	vst v4  }
0x3c: {  	v7 =	vshll.u32 v8, $0x4;
	v4 =	vand.u32 $0x7, v5;
	v5 =	vand.u32 $0xFFFFFF80, v6;
	[tilespmem:s15+$0x6440] =	vst v1  }
0x3d: {  	v6 =	vshll.u32 v15, $0x4;
	v7 =	vand.u32 $0xFFFFFF80, v7;
	v1 =	vand.u32 $0x7, v14;
	[tilespmem:s15+$0x6450] =	vst v2  }
0x3e: {  	v6 =	vand.u32 $0xFFFFFF80, v6;
	v2 =	vand.u32 $0x7, v15;
	[tilespmem:s15+$0x6460] =	vst v0;
	v0 =	vor.u32 v4, v3  }
0x3f: {  	v3 =	vshll.u32 v10, $0x4;
	v4 =	vand.u32 $0x7, v8;
	v1 =	vor.u32 v1, v5;
	[tilespmem:s17+$0x6400] =	vst v0  }
0x40: {  	v0 =	vand.u32 $0xFFFFFF80, v3;
	v3 =	vshll.u32 v11, $0x4;
	v2 =	vor.u32 v2, v6;
	[tilespmem:s17+$0x6410] =	vst v1  }
0x41: {  	v4 =	vor.u32 v4, v7;
	v5 =	vand.u32 $0x7, v11;
	v1 =	vand.u32 $0x7, v10;
	[tilespmem:s17+$0x6420] =	vst v2  }
0x42: {  	v3 =	vand.u32 $0xFFFFFF80, v3;
	v2 =	vshll.u32 v9, $0x4;
	[tilespmem:s17+$0x6430] =	vst v4;
	v0 =	vor.u32 v1, v0  }
0x43: {  	v1 =	vand.u32 $0xFFFFFF80, v2;
	v2 =	vand.u32 $0x7, v9;
	v3 =	vor.u32 v5, v3;
	[tilespmem:s17+$0x6440] =	vst v0  }
0x44: {  	v0 =	vor.u32 v2, v1;
	[tilespmem:s17+$0x6450] =	vst v3  }
0x45: {  	[tilespmem:s17+$0x6460] =	vst v0  }
0x46: {  	[tilespmem:s11], [sflag:$0x1] =	stream.indirect.gather [hbm4b:s3+s10], $0x1, s10, s10, $0xb8;
	[tilespmem:$0x12C80] =	vst v63  }
0x47: {  	_ =	swait.ge [sflag:s12], $0x6400  }
0x48: {  	[sflag:s12] =	ssyncset.done $0x0  }
0x49: {  	s31 =	simm.s32 $0x0;
	[sflag:s12] =	ssyncadd.s32 $0xFFFF9C00  }
0x4a: {  	v0 =	vld [tilespmem:s31+$0xC870]  }
0x4b: {  	v2 =	vld [tilespmem:s31+$0xC800]  }
0x4c: {  	v3 =	vld [tilespmem:s31+$0xC810]  }
0x4d: {  	v11 =	vld [tilespmem:s31+$0xC820]  }
0x4e: {  	v10 =	vld [tilespmem:s31+$0xC830]  }
0x4f: {  	v8 =	vimm.f32 $0.0e+00;
	v1 =	vimm.f32 $0.0e+00;
	v7 =	vld [tilespmem:s31+$0xC840]  }
0x50: {  	v6 =	vimm.f32 $0.0e+00;
	v4 =	vimm.f32 $0.0e+00;
	v9 =	vld [tilespmem:s31+$0xC850];
	v0 =	vadd.f32 v0, v1  }
0x51: {  	s16 =	simm.s32 $0x400;
	s15 =	simm.s32 $0x80;
	v12 =	vld [tilespmem:s31+$0xC860];
	v5 =	vadd.f32 v2, v1;
	v3 =	vadd.f32 v3, v1;
	v2 =	vimm.f32 $0.0e+00  }
.LBB2_4:
0x52: {  	p0 =	sne.s32 s16, $0x18E00;
	v13 =	vld [tilespmem:s15+$0xC870];
	v1 =	vadd.f32 v11, v1  }
0x53: {  	v14 =	vld [tilespmem:s15+$0xC800];
	v6 =	vadd.f32 v10, v6  }
0x54: {  	v15 =	vld [tilespmem:s15+$0xC810];
	v8 =	vadd.f32 v7, v8  }
.Ltmp1:
0x55: {  	v11 =	vld [tilespmem:s15+$0xC820];
	v4 =	vadd.f32 v9, v4;
	(pc) =	sbr.rel @p0 .LBB2_4-.Ltmp1, $4  }
0x56: {  	v10 =	vld [tilespmem:s15+$0xC830];
	v2 =	vadd.f32 v12, v2  }
0x57: {  	v7 =	vld [tilespmem:s15+$0xC840];
	v0 =	vadd.f32 v13, v0  }
0x58: {  	v5 =	vadd.f32 v14, v5;
	v9 =	vld [tilespmem:s15+$0xC850]  }
0x59: {  	v3 =	vadd.f32 v15, v3;
	v12 =	vld [tilespmem:s15+$0xC860];
	s15 =	sshra.s32 s16, $0x2;
	s16 =	sadd.s32 $0x200, s16  }
0x5a: {  	v14 =	vld [tilespmem:s15+$0xC800]  }
0x5b: {  	v15 =	vld [tilespmem:s15+$0xC810]  }
0x5c: {  	v16 =	vld [tilespmem:s15+$0xC820]  }
0x5d: {  	v17 =	vld [tilespmem:s15+$0xC830]  }
0x5e: {  	v18 =	vld [tilespmem:s15+$0xC840]  }
0x5f: {  	v1 =	vadd.f32 v11, v1;
	v59 =	vld [tilespmem:s15+$0xC850];
	v5 =	vadd.f32 v14, v5  }
0x60: {  	v13 =	vld [tilespmem:s15+$0xC870];
	v6 =	vadd.f32 v10, v6;
	v3 =	vadd.f32 v15, v3  }
0x61: {  	v60 =	vld [tilespmem:s15+$0xC860];
	v7 =	vadd.f32 v7, v8;
	v1 =	vadd.f32 v16, v1;
	[tilespmem:$0x12C00] =	vst v5  }
0x62: {  	v4 =	vadd.f32 v9, v4;
	v61 =	vadd.f32 v17, v6;
	[tilespmem:$0x12C10] =	vst v3  }
0x63: {  	v62 =	vadd.f32 v18, v7;
	[tilespmem:$0x12C20] =	vst v1  }
0x64: {  	v2 =	vadd.f32 v12, v2;
	v63 =	vadd.f32 v59, v4;
	[tilespmem:$0x12C30] =	vst v61  }
0x65: {  	v0 =	vadd.f32 v13, v0;
	[tilespmem:$0x12C40] =	vst v62  }
0x66: {  	s14 =	sadd.s32 $0x1, s14;
	v2 =	vadd.f32 v60, v2;
	[tilespmem:$0x12C50] =	vst v63  }
0x67: {  	p0 =	sne.s32 s14, s6;
	[tilespmem:$0x12C70] =	vst v0  }
.Ltmp2:
0x68: {  	[tilespmem:$0x12C60] =	vst v2;
	(pc) =	sbr.rel @p0 .LBB2_1-.Ltmp2, $4  }
0x69: {  	[hbm4b:s5+s2] =	stream.linear.scatter [tilespmem:s13], [sflag:$0x2], $0x80, $0x38;
	[tilespmem:$0x12C80] =	vst v63  }
0x6a: {  	_ =	swait.ge [sflag:s9], $0x80  }
0x6b: {  	[sflag:s9] =	ssyncset.done $0x0  }
0x6c: {  	[sflag:s9] =	ssyncadd.s32 $0xFFFFFF80  }
0x6d: {  	_ =	sfence.sel $0x180000  }
0x6e: {  	[bflag:$0x0] =	sbarrier.arrive $0xFFFF  }
0x6f: {  	p0 =	sne.s32 s1, $0x0;
	_ =	strace $0x90000047  }
0x70: {  	s0 =	sadd.s32 @!p0 $0x100000, s0;
	[bflag:$0x2] =	sbarrier.arrive $0xFFFF  }
0x71: {  	[sflag:s0] =	ssyncadd.tile.s32 @!p0 $0x1;
	_ =	shalt  }
.Lfunc_end2:
_tile_overlayer_lowered:
.L_overlay_start_2:
0x72: {  	(tag) =	ssettag $0x2  }
0x73: {  	s0 =	rddreg [dreg:$0x0];
	s2 =	stileid.u32  }
0x74: {  	s1 =	rddreg [dreg:$0x1];
	p0 =	sne.s32 s2, $0x0  }
0x75: {  	s3 =	rddreg [dreg:$0x2];
	[bflag:$0x3] =	sbarrier.arrive $0xFFFF;
	s2 =	simm.s32 @!p0 $0x1C02  }
0x76: {  	[timem:s3], [sflag:s2] =	dma.local @!p0 [hbm:s0], s1  }
0x77: {  	s0 =	simm.s32 @!p0 $0x2  }
0x78: {  	_ =	swait.ge @!p0 [sflag:s0], s1  }
0x79: {  	s1 =	ssub.s32 @!p0 $0x0, s1;
	[sflag:s0] =	ssyncset.done @!p0 $0x0  }
0x7a: {  	[sflag:s0] =	ssyncadd.s32 @!p0 s1  }
0x7b: {  	[bflag:$0x3] =	sbarrier.arrive $0xFFFF  }
0x7c: {  	_ =	shalt  }

</sc_bundles>
